<compile_context>
chip_gen: v7x
topology: tpu7x:2x2x1
jax: 0.10.2.dev20260603
libtpu: 0.0.44.dev20260713+nightly
codegen_flags: <defaults>
</compile_context>

<pallas_src>
import functools

import jax
import jax.numpy as jnp
from jax import lax
from jax.experimental import pallas as pl
from jax.experimental.pallas import tpu as pltpu
from jax.experimental.pallas import tpu_sc as plsc

_B = 1048576
_NC, _NS = 2, 16
_NW = _NC * _NS
_BPW = _B // _NW
_CHQ = 8192
_NCHUNK = _BPW // _CHQ
_L = 16

_mesh = plsc.VectorSubcoreMesh(core_axis_name="c", subcore_axis_name="s")


@functools.partial(
    pl.kernel,
    mesh=_mesh,
    out_type=jax.ShapeDtypeStruct((_B,), jnp.float32),
    scratch_types=[
        pltpu.VMEM((2 * _CHQ,), jnp.int32),
        pltpu.VMEM((2 * _CHQ,), jnp.int32),
        pltpu.VMEM((_CHQ,), jnp.int32),
        pltpu.VMEM((_CHQ,), jnp.int32),
        pltpu.VMEM((_CHQ,), jnp.float32),
        pltpu.VMEM((_CHQ,), jnp.float32),
        pltpu.SemaphoreType.DMA,
        pltpu.SemaphoreType.DMA,
        pltpu.SemaphoreType.DMA,
        pltpu.SemaphoreType.DMA,
        pltpu.SemaphoreType.DMA,
        pltpu.SemaphoreType.DMA,
    ],
)
def _gather_kernel(xf_hbm, tab_hbm, out_hbm,
                   xv0, xv1, lv0, lv1, vv0, vv1,
                   xs0, xs1, gs0, gs1, os0, os1):
    wid = lax.axis_index("s") * _NC + lax.axis_index("c")
    base = wid * _BPW
    xv, lv, vv = (xv0, xv1), (lv0, lv1), (vv0, vv1)
    xs, gs, osm = (xs0, xs1), (gs0, gs1), (os0, os1)

    def start_x(i):
        b = i % 2
        off = (base + i * _CHQ) * 2
        return pltpu.async_copy(xf_hbm.at[pl.ds(off, 2 * _CHQ)], xv[b], xs[b])

    def compute_idx(i):
        b = i % 2

        def body(t, c):
            off0 = (t >> 3) * 256 + (t & 7) * _L
            x0 = xv[b][pl.ds(off0, _L)]
            x1 = xv[b][pl.ds(off0 + 128, _L)]
            lv[b][pl.ds(t * _L, _L)] = (
                ((x0 >> 3) << 13) | ((x1 >> 7) << 10)
                | ((x0 & 7) << 7) | (x1 & 127)
            )
            return c

        lax.fori_loop(0, _CHQ // _L, body, 0)

    def start_gather(i):
        b = i % 2
        return pltpu.async_copy(tab_hbm.at[lv[b]], vv[b], gs[b])

    def start_out(i):
        b = i % 2
        off = base + i * _CHQ
        return pltpu.async_copy(vv[b], out_hbm.at[pl.ds(off, _CHQ)], osm[b])

    h_x, h_g, h_o = {}, {}, {}
    h_x[0] = start_x(0)
    for i in range(_NCHUNK):
        if i + 1 < _NCHUNK:
            h_x[i + 1] = start_x(i + 1)
        h_x[i].wait()
        compute_idx(i)
        if i >= 1:
            h_g[i - 1].wait()
            h_o[i - 1] = start_out(i - 1)
        if i >= 2:
            h_o[i - 2].wait()
        h_g[i] = start_gather(i)
    h_g[_NCHUNK - 1].wait()
    h_o[_NCHUNK - 1] = start_out(_NCHUNK - 1)
    h_o[_NCHUNK - 2].wait()
    h_o[_NCHUNK - 1].wait()


def kernel(x, weights):
    xf = x.reshape(8192, 128, 2).transpose(0, 2, 1).reshape(-1)
    wf = weights.reshape(128, 8, 8, 128).transpose(0, 2, 1, 3).reshape(-1)
    return _gather_kernel(xf, wf)

# --- scband reference (transcript-rebuilt; emitter-appended) ---
"""Pipeline reference for scband-integral-factor-62105227100395 (READ-ONLY COPY).

The authoritative reference and input builder live on the scoring server;
editing this copy changes nothing except your own understanding.
"""

import jax, jax.numpy as jnp
import numpy as np

DOMAIN_LENGTHS = [1024, 1024]
BATCH = 1048576


def setup_inputs(seed: int = 0) -> dict:
    key = jax.random.key(seed)
    k1, k2 = jax.random.split(key)
    # query tensor: one column per random variable, values in [0, domain_length)
    x = jax.random.randint(k1, (BATCH, len(DOMAIN_LENGTHS)), 0, DOMAIN_LENGTHS[0], dtype=jnp.int32)
    # learned parameter: weights tensor of shape [d1, d2]. The torch module inits
    # with a constant fill_value; we use random values so the gather is nontrivial.
    weights = jax.random.normal(k2, tuple(DOMAIN_LENGTHS), dtype=jnp.float32)
    return {"x": x, "weights": weights}


def reference(x, weights):
    # torch: result = self.weights[x.chunk(n_vars, -1)].squeeze(-1)
    # x.chunk(n, -1) yields n tensors of shape [B, 1]; advanced indexing over the
    # n-dim weights tensor gives [B, 1]; squeeze(-1) -> [B].
    n = x.shape[-1]
    idx = tuple(x[..., i] for i in range(n))
    result = weights[idx]
    # torch: illegal_queries = unique(rows where any entry < 0); result[illegal] = 0
    mask = jnp.any(x < 0, axis=-1)
    result = jnp.where(mask, jnp.zeros((), dtype=weights.dtype), result)
    return result

if __name__ == "__main__":
    import jax
    _d = setup_inputs()
    print(jax.jit(kernel)(*tuple(_d.values())))

</pallas_src>

<mosaic_0001>
#map = affine_map<(d0, d1) -> (0)>
module attributes {stable_mosaic.version = 14 : i64} {
  func.func @_gather_kernel(%arg0: i32, %arg1: i32, %arg2: memref<2097152xi32, #tpu.memory_space<hbm>>, %arg3: memref<1048576xf32, #tpu.memory_space<hbm>>, %arg4: memref<1048576xf32, #tpu.memory_space<hbm>>, %arg5: memref<16384xi32, #tpu.memory_space<vmem>>, %arg6: memref<16384xi32, #tpu.memory_space<vmem>>, %arg7: memref<8192xi32, #tpu.memory_space<vmem>>, %arg8: memref<8192xi32, #tpu.memory_space<vmem>>, %arg9: memref<8192xf32, #tpu.memory_space<vmem>>, %arg10: memref<8192xf32, #tpu.memory_space<vmem>>, %arg11: memref<!tpu.dma_semaphore, #tpu.memory_space<semaphore_mem>>, %arg12: memref<!tpu.dma_semaphore, #tpu.memory_space<semaphore_mem>>, %arg13: memref<!tpu.dma_semaphore, #tpu.memory_space<semaphore_mem>>, %arg14: memref<!tpu.dma_semaphore, #tpu.memory_space<semaphore_mem>>, %arg15: memref<!tpu.dma_semaphore, #tpu.memory_space<semaphore_mem>>, %arg16: memref<!tpu.dma_semaphore, #tpu.memory_space<semaphore_mem>>) attributes {dimension_semantics = [#tpu.dimension_semantics<core_parallel>, #tpu.dimension_semantics<subcore_parallel>], iteration_bounds = array<i64: 2, 16>, scalar_prefetch = 0 : i64, scratch_operands = 12 : i64, tpu.core_type = #tpu.core_type<sc_vector_subcore>, window_params = [{transform_indices = #map}, {transform_indices = #map}, {transform_indices = #map}]} {
    %mul3A = arith.constant 2 : i32
    %mul3A_0 = arith.muli %arg1, %mul3A : i32
    %add3A = arith.addi %mul3A_0, %arg0 : i32
    %mul3A_1 = arith.constant 32768 : i32
    %mul3A_2 = arith.muli %add3A, %mul3A_1 : i32
    %add3A_3 = arith.constant 0 : i32
    %add3A_4 = arith.addi %mul3A_2, %add3A_3 : i32
    %mul3A_5 = arith.constant 2 : i32
    %mul3A_6 = arith.muli %add3A_4, %mul3A_5 : i32
    %dma_start3A = tpu.memref_slice %arg2[%mul3A_6] : memref<2097152xi32, #tpu.memory_space<hbm>> -> memref<16384xi32, #tpu.memory_space<hbm>>
    %dma_start3A_7 = tpu.memref_slice %arg2[%mul3A_6] : memref<2097152xi32, #tpu.memory_space<hbm>> -> memref<16384xi32, #tpu.memory_space<hbm>>
    tpu.enqueue_dma source(%dma_start3A_7 : memref<16384xi32, #tpu.memory_space<hbm>>) target(%arg5 : memref<16384xi32, #tpu.memory_space<vmem>>) target_semaphore(%arg11 : memref<!tpu.dma_semaphore, #tpu.memory_space<semaphore_mem>>)
    %add3A_8 = arith.constant 8192 : i32
    %add3A_9 = arith.addi %mul3A_2, %add3A_8 : i32
    %mul3A_10 = arith.constant 2 : i32
    %mul3A_11 = arith.muli %add3A_9, %mul3A_10 : i32
    %dma_start3A_12 = tpu.memref_slice %arg2[%mul3A_11] : memref<2097152xi32, #tpu.memory_space<hbm>> -> memref<16384xi32, #tpu.memory_space<hbm>>
    %dma_start3A_13 = tpu.memref_slice %arg2[%mul3A_11] : memref<2097152xi32, #tpu.memory_space<hbm>> -> memref<16384xi32, #tpu.memory_space<hbm>>
    tpu.enqueue_dma source(%dma_start3A_13 : memref<16384xi32, #tpu.memory_space<hbm>>) target(%arg6 : memref<16384xi32, #tpu.memory_space<vmem>>) target_semaphore(%arg12 : memref<!tpu.dma_semaphore, #tpu.memory_space<semaphore_mem>>)
    %dma_wait3A = tpu.memref_slice %arg2[%mul3A_6] : memref<2097152xi32, #tpu.memory_space<hbm>> -> memref<16384xi32, #tpu.memory_space<hbm>>
    %dma_wait3A_14 = tpu.memref_slice %arg2[%mul3A_6] : memref<2097152xi32, #tpu.memory_space<hbm>> -> memref<16384xi32, #tpu.memory_space<hbm>>
    tpu.wait_dma2 semaphore(%arg11 : memref<!tpu.dma_semaphore, #tpu.memory_space<semaphore_mem>>) src(%dma_wait3A_14 : memref<16384xi32, #tpu.memory_space<hbm>>) dst(%arg5 : memref<16384xi32, #tpu.memory_space<vmem>>)
    %scan3A = arith.constant 0 : i32
    %scan3A_15 = arith.constant 0 : i32
    %scan3A_16 = arith.constant 512 : i32
    %scan3A_17 = arith.addi %scan3A_15, %scan3A_16 : i32
    %scan3A_18 = arith.constant 1 : i32
    scf.for %scan3A_96 = %scan3A_15 to %scan3A_17 step %scan3A_18  : i32 {
      %shift_right_arithmetic3A = arith.constant 3 : i32
      %shift_right_arithmetic3A_97 = arith.shrsi %scan3A_96, %shift_right_arithmetic3A : i32
      %mul3A_98 = arith.constant 256 : i32
      %mul3A_99 = arith.muli %shift_right_arithmetic3A_97, %mul3A_98 : i32
      %and3A = arith.constant 7 : i32
      %and3A_100 = arith.andi %scan3A_96, %and3A : i32
      %mul3A_101 = arith.constant 16 : i32
      %mul3A_102 = arith.muli %and3A_100, %mul3A_101 : i32
      %add3A_103 = arith.addi %mul3A_99, %mul3A_102 : i32
      %get3A = arith.index_cast %add3A_103 : i32 to index
      %get3A_104 = tpu.vector_load %arg5[%get3A] {strides = array<i32>} : memref<16384xi32, #tpu.memory_space<vmem>>, vector<16xi32>,
      %get3A_105 = vector.shape_cast %get3A_104 : vector<16xi32> to vector<16xi32>
      %add3A_106 = arith.constant 128 : i32
      %add3A_107 = arith.addi %add3A_103, %add3A_106 : i32
      %get3A_108 = arith.index_cast %add3A_107 : i32 to index
      %get3A_109 = tpu.vector_load %arg5[%get3A_108] {strides = array<i32>} : memref<16384xi32, #tpu.memory_space<vmem>>, vector<16xi32>,
      %get3A_110 = vector.shape_cast %get3A_109 : vector<16xi32> to vector<16xi32>
      %shift_right_arithmetic3A_111 = arith.constant 3 : i32
      %shift_right_arithmetic3A_112 = vector.broadcast %shift_right_arithmetic3A_111 : i32 to vector<16xi32>
      %shift_right_arithmetic3A_113 = arith.shrsi %get3A_105, %shift_right_arithmetic3A_112 : vector<16xi32>
      %shift_left3A = arith.constant 13 : i32
      %shift_left3A_114 = vector.broadcast %shift_left3A : i32 to vector<16xi32>
      %shift_left3A_115 = arith.shli %shift_right_arithmetic3A_113, %shift_left3A_114 : vector<16xi32>
      %shift_right_arithmetic3A_116 = arith.constant 7 : i32
      %shift_right_arithmetic3A_117 = vector.broadcast %shift_right_arithmetic3A_116 : i32 to vector<16xi32>
      %shift_right_arithmetic3A_118 = arith.shrsi %get3A_110, %shift_right_arithmetic3A_117 : vector<16xi32>
      %shift_left3A_119 = arith.constant 10 : i32
      %shift_left3A_120 = vector.broadcast %shift_left3A_119 : i32 to vector<16xi32>
      %shift_left3A_121 = arith.shli %shift_right_arithmetic3A_118, %shift_left3A_120 : vector<16xi32>
      %or3A = arith.ori %shift_left3A_115, %shift_left3A_121 : vector<16xi32>
      %and3A_122 = arith.constant 7 : i32
      %and3A_123 = vector.broadcast %and3A_122 : i32 to vector<16xi32>
      %and3A_124 = arith.andi %get3A_105, %and3A_123 : vector<16xi32>
      %shift_left3A_125 = arith.constant 7 : i32
      %shift_left3A_126 = vector.broadcast %shift_left3A_125 : i32 to vector<16xi32>
      %shift_left3A_127 = arith.shli %and3A_124, %shift_left3A_126 : vector<16xi32>
      %or3A_128 = arith.ori %or3A, %shift_left3A_127 : vector<16xi32>
      %and3A_129 = arith.constant 127 : i32
      %and3A_130 = vector.broadcast %and3A_129 : i32 to vector<16xi32>
      %and3A_131 = arith.andi %get3A_110, %and3A_130 : vector<16xi32>
      %or3A_132 = arith.ori %or3A_128, %and3A_131 : vector<16xi32>
      %mul3A_133 = arith.constant 16 : i32
      %mul3A_134 = arith.muli %scan3A_96, %mul3A_133 : i32
      %swap3A = arith.index_cast %mul3A_134 : i32 to index
      %swap3A_135 = tpu.vector_load %arg7[%swap3A] {strides = array<i32>} : memref<8192xi32, #tpu.memory_space<vmem>>, vector<16xi32>,
      %swap3A_136 = vector.shape_cast %swap3A_135 : vector<16xi32> to vector<16xi32>
      %swap3A_137 = vector.shape_cast %or3A_132 : vector<16xi32> to vector<16xi32>
      tpu.vector_store %arg7[%swap3A], %swap3A_137 {strides = array<i32>} : memref<8192xi32, #tpu.memory_space<vmem>>, vector<16xi32>,
    }
    %scan3A_19 = arith.constant 512 : i32
    %dma_start3A_20 = arith.constant 0 : i32
    %dma_start3A_21 = tpu.memref_slice %arg3[%dma_start3A_20] : memref<1048576xf32, #tpu.memory_space<hbm>> -> memref<1048576xf32, #tpu.memory_space<hbm>>
    tpu.enqueue_indirect_dma source(%dma_start3A_21 : memref<1048576xf32, #tpu.memory_space<hbm>>) target(%arg9 : memref<8192xf32, #tpu.memory_space<vmem>>) offsets(%arg7 : memref<8192xi32, #tpu.memory_space<vmem>>) semaphore(%arg13 : memref<!tpu.dma_semaphore, #tpu.memory_space<semaphore_mem>>)
    %add3A_22 = arith.constant 16384 : i32
    %add3A_23 = arith.addi %mul3A_2, %add3A_22 : i32
    %mul3A_24 = arith.constant 2 : i32
    %mul3A_25 = arith.muli %add3A_23, %mul3A_24 : i32
    %dma_start3A_26 = tpu.memref_slice %arg2[%mul3A_25] : memref<2097152xi32, #tpu.memory_space<hbm>> -> memref<16384xi32, #tpu.memory_space<hbm>>
    %dma_start3A_27 = tpu.memref_slice %arg2[%mul3A_25] : memref<2097152xi32, #tpu.memory_space<hbm>> -> memref<16384xi32, #tpu.memory_space<hbm>>
    tpu.enqueue_dma source(%dma_start3A_27 : memref<16384xi32, #tpu.memory_space<hbm>>) target(%arg5 : memref<16384xi32, #tpu.memory_space<vmem>>) target_semaphore(%arg11 : memref<!tpu.dma_semaphore, #tpu.memory_space<semaphore_mem>>)
    %dma_wait3A_28 = tpu.memref_slice %arg2[%mul3A_11] : memref<2097152xi32, #tpu.memory_space<hbm>> -> memref<16384xi32, #tpu.memory_space<hbm>>
    %dma_wait3A_29 = tpu.memref_slice %arg2[%mul3A_11] : memref<2097152xi32, #tpu.memory_space<hbm>> -> memref<16384xi32, #tpu.memory_space<hbm>>
    tpu.wait_dma2 semaphore(%arg12 : memref<!tpu.dma_semaphore, #tpu.memory_space<semaphore_mem>>) src(%dma_wait3A_29 : memref<16384xi32, #tpu.memory_space<hbm>>) dst(%arg6 : memref<16384xi32, #tpu.memory_space<vmem>>)
    %scan3A_30 = arith.constant 0 : i32
    %scan3A_31 = arith.constant 0 : i32
    %scan3A_32 = arith.constant 512 : i32
    %scan3A_33 = arith.addi %scan3A_31, %scan3A_32 : i32
    %scan3A_34 = arith.constant 1 : i32
    scf.for %scan3A_96 = %scan3A_31 to %scan3A_33 step %scan3A_34  : i32 {
      %shift_right_arithmetic3A = arith.constant 3 : i32
      %shift_right_arithmetic3A_97 = arith.shrsi %scan3A_96, %shift_right_arithmetic3A : i32
      %mul3A_98 = arith.constant 256 : i32
      %mul3A_99 = arith.muli %shift_right_arithmetic3A_97, %mul3A_98 : i32
      %and3A = arith.constant 7 : i32
      %and3A_100 = arith.andi %scan3A_96, %and3A : i32
      %mul3A_101 = arith.constant 16 : i32
      %mul3A_102 = arith.muli %and3A_100, %mul3A_101 : i32
      %add3A_103 = arith.addi %mul3A_99, %mul3A_102 : i32
      %get3A = arith.index_cast %add3A_103 : i32 to index
      %get3A_104 = tpu.vector_load %arg6[%get3A] {strides = array<i32>} : memref<16384xi32, #tpu.memory_space<vmem>>, vector<16xi32>,
      %get3A_105 = vector.shape_cast %get3A_104 : vector<16xi32> to vector<16xi32>
      %add3A_106 = arith.constant 128 : i32
      %add3A_107 = arith.addi %add3A_103, %add3A_106 : i32
      %get3A_108 = arith.index_cast %add3A_107 : i32 to index
      %get3A_109 = tpu.vector_load %arg6[%get3A_108] {strides = array<i32>} : memref<16384xi32, #tpu.memory_space<vmem>>, vector<16xi32>,
      %get3A_110 = vector.shape_cast %get3A_109 : vector<16xi32> to vector<16xi32>
      %shift_right_arithmetic3A_111 = arith.constant 3 : i32
      %shift_right_arithmetic3A_112 = vector.broadcast %shift_right_arithmetic3A_111 : i32 to vector<16xi32>
      %shift_right_arithmetic3A_113 = arith.shrsi %get3A_105, %shift_right_arithmetic3A_112 : vector<16xi32>
      %shift_left3A = arith.constant 13 : i32
      %shift_left3A_114 = vector.broadcast %shift_left3A : i32 to vector<16xi32>
      %shift_left3A_115 = arith.shli %shift_right_arithmetic3A_113, %shift_left3A_114 : vector<16xi32>
      %shift_right_arithmetic3A_116 = arith.constant 7 : i32
      %shift_right_arithmetic3A_117 = vector.broadcast %shift_right_arithmetic3A_116 : i32 to vector<16xi32>
      %shift_right_arithmetic3A_118 = arith.shrsi %get3A_110, %shift_right_arithmetic3A_117 : vector<16xi32>
      %shift_left3A_119 = arith.constant 10 : i32
      %shift_left3A_120 = vector.broadcast %shift_left3A_119 : i32 to vector<16xi32>
      %shift_left3A_121 = arith.shli %shift_right_arithmetic3A_118, %shift_left3A_120 : vector<16xi32>
      %or3A = arith.ori %shift_left3A_115, %shift_left3A_121 : vector<16xi32>
      %and3A_122 = arith.constant 7 : i32
      %and3A_123 = vector.broadcast %and3A_122 : i32 to vector<16xi32>
      %and3A_124 = arith.andi %get3A_105, %and3A_123 : vector<16xi32>
      %shift_left3A_125 = arith.constant 7 : i32
      %shift_left3A_126 = vector.broadcast %shift_left3A_125 : i32 to vector<16xi32>
      %shift_left3A_127 = arith.shli %and3A_124, %shift_left3A_126 : vector<16xi32>
      %or3A_128 = arith.ori %or3A, %shift_left3A_127 : vector<16xi32>
      %and3A_129 = arith.constant 127 : i32
      %and3A_130 = vector.broadcast %and3A_129 : i32 to vector<16xi32>
      %and3A_131 = arith.andi %get3A_110, %and3A_130 : vector<16xi32>
      %or3A_132 = arith.ori %or3A_128, %and3A_131 : vector<16xi32>
      %mul3A_133 = arith.constant 16 : i32
      %mul3A_134 = arith.muli %scan3A_96, %mul3A_133 : i32
      %swap3A = arith.index_cast %mul3A_134 : i32 to index
      %swap3A_135 = tpu.vector_load %arg8[%swap3A] {strides = array<i32>} : memref<8192xi32, #tpu.memory_space<vmem>>, vector<16xi32>,
      %swap3A_136 = vector.shape_cast %swap3A_135 : vector<16xi32> to vector<16xi32>
      %swap3A_137 = vector.shape_cast %or3A_132 : vector<16xi32> to vector<16xi32>
      tpu.vector_store %arg8[%swap3A], %swap3A_137 {strides = array<i32>} : memref<8192xi32, #tpu.memory_space<vmem>>, vector<16xi32>,
    }
    %scan3A_35 = arith.constant 512 : i32
    %dma_wait3A_36 = arith.constant 0 : i32
    %dma_wait3A_37 = tpu.memref_slice %arg3[%dma_wait3A_36] : memref<1048576xf32, #tpu.memory_space<hbm>> -> memref<1048576xf32, #tpu.memory_space<hbm>>
    tpu.wait_indirect_dma semaphore(%arg13 : memref<!tpu.dma_semaphore, #tpu.memory_space<semaphore_mem>>) src(%dma_wait3A_37 : memref<1048576xf32, #tpu.memory_space<hbm>>) dst(%arg9 : memref<8192xf32, #tpu.memory_space<vmem>>)
    %add3A_38 = arith.constant 0 : i32
    %add3A_39 = arith.addi %mul3A_2, %add3A_38 : i32
    %dma_start3A_40 = tpu.memref_slice %arg4[%add3A_39] : memref<1048576xf32, #tpu.memory_space<hbm>> -> memref<8192xf32, #tpu.memory_space<hbm>>
    %dma_start3A_41 = tpu.memref_slice %arg4[%add3A_39] : memref<1048576xf32, #tpu.memory_space<hbm>> -> memref<8192xf32, #tpu.memory_space<hbm>>
    tpu.enqueue_dma source(%arg9 : memref<8192xf32, #tpu.memory_space<vmem>>) target(%dma_start3A_41 : memref<8192xf32, #tpu.memory_space<hbm>>) target_semaphore(%arg15 : memref<!tpu.dma_semaphore, #tpu.memory_space<semaphore_mem>>)
    %dma_start3A_42 = arith.constant 0 : i32
    %dma_start3A_43 = tpu.memref_slice %arg3[%dma_start3A_42] : memref<1048576xf32, #tpu.memory_space<hbm>> -> memref<1048576xf32, #tpu.memory_space<hbm>>
    tpu.enqueue_indirect_dma source(%dma_start3A_43 : memref<1048576xf32, #tpu.memory_space<hbm>>) target(%arg10 : memref<8192xf32, #tpu.memory_space<vmem>>) offsets(%arg8 : memref<8192xi32, #tpu.memory_space<vmem>>) semaphore(%arg14 : memref<!tpu.dma_semaphore, #tpu.memory_space<semaphore_mem>>)
    %add3A_44 = arith.constant 24576 : i32
    %add3A_45 = arith.addi %mul3A_2, %add3A_44 : i32
    %mul3A_46 = arith.constant 2 : i32
    %mul3A_47 = arith.muli %add3A_45, %mul3A_46 : i32
    %dma_start3A_48 = tpu.memref_slice %arg2[%mul3A_47] : memref<2097152xi32, #tpu.memory_space<hbm>> -> memref<16384xi32, #tpu.memory_space<hbm>>
    %dma_start3A_49 = tpu.memref_slice %arg2[%mul3A_47] : memref<2097152xi32, #tpu.memory_space<hbm>> -> memref<16384xi32, #tpu.memory_space<hbm>>
    tpu.enqueue_dma source(%dma_start3A_49 : memref<16384xi32, #tpu.memory_space<hbm>>) target(%arg6 : memref<16384xi32, #tpu.memory_space<vmem>>) target_semaphore(%arg12 : memref<!tpu.dma_semaphore, #tpu.memory_space<semaphore_mem>>)
    %dma_wait3A_50 = tpu.memref_slice %arg2[%mul3A_25] : memref<2097152xi32, #tpu.memory_space<hbm>> -> memref<16384xi32, #tpu.memory_space<hbm>>
    %dma_wait3A_51 = tpu.memref_slice %arg2[%mul3A_25] : memref<2097152xi32, #tpu.memory_space<hbm>> -> memref<16384xi32, #tpu.memory_space<hbm>>
    tpu.wait_dma2 semaphore(%arg11 : memref<!tpu.dma_semaphore, #tpu.memory_space<semaphore_mem>>) src(%dma_wait3A_51 : memref<16384xi32, #tpu.memory_space<hbm>>) dst(%arg5 : memref<16384xi32, #tpu.memory_space<vmem>>)
    %scan3A_52 = arith.constant 0 : i32
    %scan3A_53 = arith.constant 0 : i32
    %scan3A_54 = arith.constant 512 : i32
    %scan3A_55 = arith.addi %scan3A_53, %scan3A_54 : i32
    %scan3A_56 = arith.constant 1 : i32
    scf.for %scan3A_96 = %scan3A_53 to %scan3A_55 step %scan3A_56  : i32 {
      %shift_right_arithmetic3A = arith.constant 3 : i32
      %shift_right_arithmetic3A_97 = arith.shrsi %scan3A_96, %shift_right_arithmetic3A : i32
      %mul3A_98 = arith.constant 256 : i32
      %mul3A_99 = arith.muli %shift_right_arithmetic3A_97, %mul3A_98 : i32
      %and3A = arith.constant 7 : i32
      %and3A_100 = arith.andi %scan3A_96, %and3A : i32
      %mul3A_101 = arith.constant 16 : i32
      %mul3A_102 = arith.muli %and3A_100, %mul3A_101 : i32
      %add3A_103 = arith.addi %mul3A_99, %mul3A_102 : i32
      %get3A = arith.index_cast %add3A_103 : i32 to index
      %get3A_104 = tpu.vector_load %arg5[%get3A] {strides = array<i32>} : memref<16384xi32, #tpu.memory_space<vmem>>, vector<16xi32>,
      %get3A_105 = vector.shape_cast %get3A_104 : vector<16xi32> to vector<16xi32>
      %add3A_106 = arith.constant 128 : i32
      %add3A_107 = arith.addi %add3A_103, %add3A_106 : i32
      %get3A_108 = arith.index_cast %add3A_107 : i32 to index
      %get3A_109 = tpu.vector_load %arg5[%get3A_108] {strides = array<i32>} : memref<16384xi32, #tpu.memory_space<vmem>>, vector<16xi32>,
      %get3A_110 = vector.shape_cast %get3A_109 : vector<16xi32> to vector<16xi32>
      %shift_right_arithmetic3A_111 = arith.constant 3 : i32
      %shift_right_arithmetic3A_112 = vector.broadcast %shift_right_arithmetic3A_111 : i32 to vector<16xi32>
      %shift_right_arithmetic3A_113 = arith.shrsi %get3A_105, %shift_right_arithmetic3A_112 : vector<16xi32>
      %shift_left3A = arith.constant 13 : i32
      %shift_left3A_114 = vector.broadcast %shift_left3A : i32 to vector<16xi32>
      %shift_left3A_115 = arith.shli %shift_right_arithmetic3A_113, %shift_left3A_114 : vector<16xi32>
      %shift_right_arithmetic3A_116 = arith.constant 7 : i32
      %shift_right_arithmetic3A_117 = vector.broadcast %shift_right_arithmetic3A_116 : i32 to vector<16xi32>
      %shift_right_arithmetic3A_118 = arith.shrsi %get3A_110, %shift_right_arithmetic3A_117 : vector<16xi32>
      %shift_left3A_119 = arith.constant 10 : i32
      %shift_left3A_120 = vector.broadcast %shift_left3A_119 : i32 to vector<16xi32>
      %shift_left3A_121 = arith.shli %shift_right_arithmetic3A_118, %shift_left3A_120 : vector<16xi32>
      %or3A = arith.ori %shift_left3A_115, %shift_left3A_121 : vector<16xi32>
      %and3A_122 = arith.constant 7 : i32
      %and3A_123 = vector.broadcast %and3A_122 : i32 to vector<16xi32>
      %and3A_124 = arith.andi %get3A_105, %and3A_123 : vector<16xi32>
      %shift_left3A_125 = arith.constant 7 : i32
      %shift_left3A_126 = vector.broadcast %shift_left3A_125 : i32 to vector<16xi32>
      %shift_left3A_127 = arith.shli %and3A_124, %shift_left3A_126 : vector<16xi32>
      %or3A_128 = arith.ori %or3A, %shift_left3A_127 : vector<16xi32>
      %and3A_129 = arith.constant 127 : i32
      %and3A_130 = vector.broadcast %and3A_129 : i32 to vector<16xi32>
      %and3A_131 = arith.andi %get3A_110, %and3A_130 : vector<16xi32>
      %or3A_132 = arith.ori %or3A_128, %and3A_131 : vector<16xi32>
      %mul3A_133 = arith.constant 16 : i32
      %mul3A_134 = arith.muli %scan3A_96, %mul3A_133 : i32
      %swap3A = arith.index_cast %mul3A_134 : i32 to index
      %swap3A_135 = tpu.vector_load %arg7[%swap3A] {strides = array<i32>} : memref<8192xi32, #tpu.memory_space<vmem>>, vector<16xi32>,
      %swap3A_136 = vector.shape_cast %swap3A_135 : vector<16xi32> to vector<16xi32>
      %swap3A_137 = vector.shape_cast %or3A_132 : vector<16xi32> to vector<16xi32>
      tpu.vector_store %arg7[%swap3A], %swap3A_137 {strides = array<i32>} : memref<8192xi32, #tpu.memory_space<vmem>>, vector<16xi32>,
    }
    %scan3A_57 = arith.constant 512 : i32
    %dma_wait3A_58 = arith.constant 0 : i32
    %dma_wait3A_59 = tpu.memref_slice %arg3[%dma_wait3A_58] : memref<1048576xf32, #tpu.memory_space<hbm>> -> memref<1048576xf32, #tpu.memory_space<hbm>>
    tpu.wait_indirect_dma semaphore(%arg14 : memref<!tpu.dma_semaphore, #tpu.memory_space<semaphore_mem>>) src(%dma_wait3A_59 : memref<1048576xf32, #tpu.memory_space<hbm>>) dst(%arg10 : memref<8192xf32, #tpu.memory_space<vmem>>)
    %add3A_60 = arith.constant 8192 : i32
    %add3A_61 = arith.addi %mul3A_2, %add3A_60 : i32
    %dma_start3A_62 = tpu.memref_slice %arg4[%add3A_61] : memref<1048576xf32, #tpu.memory_space<hbm>> -> memref<8192xf32, #tpu.memory_space<hbm>>
    %dma_start3A_63 = tpu.memref_slice %arg4[%add3A_61] : memref<1048576xf32, #tpu.memory_space<hbm>> -> memref<8192xf32, #tpu.memory_space<hbm>>
    tpu.enqueue_dma source(%arg10 : memref<8192xf32, #tpu.memory_space<vmem>>) target(%dma_start3A_63 : memref<8192xf32, #tpu.memory_space<hbm>>) target_semaphore(%arg16 : memref<!tpu.dma_semaphore, #tpu.memory_space<semaphore_mem>>)
    %dma_wait3A_64 = tpu.memref_slice %arg4[%add3A_39] : memref<1048576xf32, #tpu.memory_space<hbm>> -> memref<8192xf32, #tpu.memory_space<hbm>>
    %dma_wait3A_65 = tpu.memref_slice %arg4[%add3A_39] : memref<1048576xf32, #tpu.memory_space<hbm>> -> memref<8192xf32, #tpu.memory_space<hbm>>
    tpu.wait_dma2 semaphore(%arg15 : memref<!tpu.dma_semaphore, #tpu.memory_space<semaphore_mem>>) src(%arg9 : memref<8192xf32, #tpu.memory_space<vmem>>) dst(%dma_wait3A_65 : memref<8192xf32, #tpu.memory_space<hbm>>)
    %dma_start3A_66 = arith.constant 0 : i32
    %dma_start3A_67 = tpu.memref_slice %arg3[%dma_start3A_66] : memref<1048576xf32, #tpu.memory_space<hbm>> -> memref<1048576xf32, #tpu.memory_space<hbm>>
    tpu.enqueue_indirect_dma source(%dma_start3A_67 : memref<1048576xf32, #tpu.memory_space<hbm>>) target(%arg9 : memref<8192xf32, #tpu.memory_space<vmem>>) offsets(%arg7 : memref<8192xi32, #tpu.memory_space<vmem>>) semaphore(%arg13 : memref<!tpu.dma_semaphore, #tpu.memory_space<semaphore_mem>>)
    %dma_wait3A_68 = tpu.memref_slice %arg2[%mul3A_47] : memref<2097152xi32, #tpu.memory_space<hbm>> -> memref<16384xi32, #tpu.memory_space<hbm>>
    %dma_wait3A_69 = tpu.memref_slice %arg2[%mul3A_47] : memref<2097152xi32, #tpu.memory_space<hbm>> -> memref<16384xi32, #tpu.memory_space<hbm>>
    tpu.wait_dma2 semaphore(%arg12 : memref<!tpu.dma_semaphore, #tpu.memory_space<semaphore_mem>>) src(%dma_wait3A_69 : memref<16384xi32, #tpu.memory_space<hbm>>) dst(%arg6 : memref<16384xi32, #tpu.memory_space<vmem>>)
    %scan3A_70 = arith.constant 0 : i32
    %scan3A_71 = arith.constant 0 : i32
    %scan3A_72 = arith.constant 512 : i32
    %scan3A_73 = arith.addi %scan3A_71, %scan3A_72 : i32
    %scan3A_74 = arith.constant 1 : i32
    scf.for %scan3A_96 = %scan3A_71 to %scan3A_73 step %scan3A_74  : i32 {
      %shift_right_arithmetic3A = arith.constant 3 : i32
      %shift_right_arithmetic3A_97 = arith.shrsi %scan3A_96, %shift_right_arithmetic3A : i32
      %mul3A_98 = arith.constant 256 : i32
      %mul3A_99 = arith.muli %shift_right_arithmetic3A_97, %mul3A_98 : i32
      %and3A = arith.constant 7 : i32
      %and3A_100 = arith.andi %scan3A_96, %and3A : i32
      %mul3A_101 = arith.constant 16 : i32
      %mul3A_102 = arith.muli %and3A_100, %mul3A_101 : i32
      %add3A_103 = arith.addi %mul3A_99, %mul3A_102 : i32
      %get3A = arith.index_cast %add3A_103 : i32 to index
      %get3A_104 = tpu.vector_load %arg6[%get3A] {strides = array<i32>} : memref<16384xi32, #tpu.memory_space<vmem>>, vector<16xi32>,
      %get3A_105 = vector.shape_cast %get3A_104 : vector<16xi32> to vector<16xi32>
      %add3A_106 = arith.constant 128 : i32
      %add3A_107 = arith.addi %add3A_103, %add3A_106 : i32
      %get3A_108 = arith.index_cast %add3A_107 : i32 to index
      %get3A_109 = tpu.vector_load %arg6[%get3A_108] {strides = array<i32>} : memref<16384xi32, #tpu.memory_space<vmem>>, vector<16xi32>,
      %get3A_110 = vector.shape_cast %get3A_109 : vector<16xi32> to vector<16xi32>
      %shift_right_arithmetic3A_111 = arith.constant 3 : i32
      %shift_right_arithmetic3A_112 = vector.broadcast %shift_right_arithmetic3A_111 : i32 to vector<16xi32>
      %shift_right_arithmetic3A_113 = arith.shrsi %get3A_105, %shift_right_arithmetic3A_112 : vector<16xi32>
      %shift_left3A = arith.constant 13 : i32
      %shift_left3A_114 = vector.broadcast %shift_left3A : i32 to vector<16xi32>
      %shift_left3A_115 = arith.shli %shift_right_arithmetic3A_113, %shift_left3A_114 : vector<16xi32>
      %shift_right_arithmetic3A_116 = arith.constant 7 : i32
      %shift_right_arithmetic3A_117 = vector.broadcast %shift_right_arithmetic3A_116 : i32 to vector<16xi32>
      %shift_right_arithmetic3A_118 = arith.shrsi %get3A_110, %shift_right_arithmetic3A_117 : vector<16xi32>
      %shift_left3A_119 = arith.constant 10 : i32
      %shift_left3A_120 = vector.broadcast %shift_left3A_119 : i32 to vector<16xi32>
      %shift_left3A_121 = arith.shli %shift_right_arithmetic3A_118, %shift_left3A_120 : vector<16xi32>
      %or3A = arith.ori %shift_left3A_115, %shift_left3A_121 : vector<16xi32>
      %and3A_122 = arith.constant 7 : i32
      %and3A_123 = vector.broadcast %and3A_122 : i32 to vector<16xi32>
      %and3A_124 = arith.andi %get3A_105, %and3A_123 : vector<16xi32>
      %shift_left3A_125 = arith.constant 7 : i32
      %shift_left3A_126 = vector.broadcast %shift_left3A_125 : i32 to vector<16xi32>
      %shift_left3A_127 = arith.shli %and3A_124, %shift_left3A_126 : vector<16xi32>
      %or3A_128 = arith.ori %or3A, %shift_left3A_127 : vector<16xi32>
      %and3A_129 = arith.constant 127 : i32
      %and3A_130 = vector.broadcast %and3A_129 : i32 to vector<16xi32>
      %and3A_131 = arith.andi %get3A_110, %and3A_130 : vector<16xi32>
      %or3A_132 = arith.ori %or3A_128, %and3A_131 : vector<16xi32>
      %mul3A_133 = arith.constant 16 : i32
      %mul3A_134 = arith.muli %scan3A_96, %mul3A_133 : i32
      %swap3A = arith.index_cast %mul3A_134 : i32 to index
      %swap3A_135 = tpu.vector_load %arg8[%swap3A] {strides = array<i32>} : memref<8192xi32, #tpu.memory_space<vmem>>, vector<16xi32>,
      %swap3A_136 = vector.shape_cast %swap3A_135 : vector<16xi32> to vector<16xi32>
      %swap3A_137 = vector.shape_cast %or3A_132 : vector<16xi32> to vector<16xi32>
      tpu.vector_store %arg8[%swap3A], %swap3A_137 {strides = array<i32>} : memref<8192xi32, #tpu.memory_space<vmem>>, vector<16xi32>,
    }
    %scan3A_75 = arith.constant 512 : i32
    %dma_wait3A_76 = arith.constant 0 : i32
    %dma_wait3A_77 = tpu.memref_slice %arg3[%dma_wait3A_76] : memref<1048576xf32, #tpu.memory_space<hbm>> -> memref<1048576xf32, #tpu.memory_space<hbm>>
    tpu.wait_indirect_dma semaphore(%arg13 : memref<!tpu.dma_semaphore, #tpu.memory_space<semaphore_mem>>) src(%dma_wait3A_77 : memref<1048576xf32, #tpu.memory_space<hbm>>) dst(%arg9 : memref<8192xf32, #tpu.memory_space<vmem>>)
    %add3A_78 = arith.constant 16384 : i32
    %add3A_79 = arith.addi %mul3A_2, %add3A_78 : i32
    %dma_start3A_80 = tpu.memref_slice %arg4[%add3A_79] : memref<1048576xf32, #tpu.memory_space<hbm>> -> memref<8192xf32, #tpu.memory_space<hbm>>
    %dma_start3A_81 = tpu.memref_slice %arg4[%add3A_79] : memref<1048576xf32, #tpu.memory_space<hbm>> -> memref<8192xf32, #tpu.memory_space<hbm>>
    tpu.enqueue_dma source(%arg9 : memref<8192xf32, #tpu.memory_space<vmem>>) target(%dma_start3A_81 : memref<8192xf32, #tpu.memory_space<hbm>>) target_semaphore(%arg15 : memref<!tpu.dma_semaphore, #tpu.memory_space<semaphore_mem>>)
    %dma_wait3A_82 = tpu.memref_slice %arg4[%add3A_61] : memref<1048576xf32, #tpu.memory_space<hbm>> -> memref<8192xf32, #tpu.memory_space<hbm>>
    %dma_wait3A_83 = tpu.memref_slice %arg4[%add3A_61] : memref<1048576xf32, #tpu.memory_space<hbm>> -> memref<8192xf32, #tpu.memory_space<hbm>>
    tpu.wait_dma2 semaphore(%arg16 : memref<!tpu.dma_semaphore, #tpu.memory_space<semaphore_mem>>) src(%arg10 : memref<8192xf32, #tpu.memory_space<vmem>>) dst(%dma_wait3A_83 : memref<8192xf32, #tpu.memory_space<hbm>>)
    %dma_start3A_84 = arith.constant 0 : i32
    %dma_start3A_85 = tpu.memref_slice %arg3[%dma_start3A_84] : memref<1048576xf32, #tpu.memory_space<hbm>> -> memref<1048576xf32, #tpu.memory_space<hbm>>
    tpu.enqueue_indirect_dma source(%dma_start3A_85 : memref<1048576xf32, #tpu.memory_space<hbm>>) target(%arg10 : memref<8192xf32, #tpu.memory_space<vmem>>) offsets(%arg8 : memref<8192xi32, #tpu.memory_space<vmem>>) semaphore(%arg14 : memref<!tpu.dma_semaphore, #tpu.memory_space<semaphore_mem>>)
    %dma_wait3A_86 = arith.constant 0 : i32
    %dma_wait3A_87 = tpu.memref_slice %arg3[%dma_wait3A_86] : memref<1048576xf32, #tpu.memory_space<hbm>> -> memref<1048576xf32, #tpu.memory_space<hbm>>
    tpu.wait_indirect_dma semaphore(%arg14 : memref<!tpu.dma_semaphore, #tpu.memory_space<semaphore_mem>>) src(%dma_wait3A_87 : memref<1048576xf32, #tpu.memory_space<hbm>>) dst(%arg10 : memref<8192xf32, #tpu.memory_space<vmem>>)
    %add3A_88 = arith.constant 24576 : i32
    %add3A_89 = arith.addi %mul3A_2, %add3A_88 : i32
    %dma_start3A_90 = tpu.memref_slice %arg4[%add3A_89] : memref<1048576xf32, #tpu.memory_space<hbm>> -> memref<8192xf32, #tpu.memory_space<hbm>>
    %dma_start3A_91 = tpu.memref_slice %arg4[%add3A_89] : memref<1048576xf32, #tpu.memory_space<hbm>> -> memref<8192xf32, #tpu.memory_space<hbm>>
    tpu.enqueue_dma source(%arg10 : memref<8192xf32, #tpu.memory_space<vmem>>) target(%dma_start3A_91 : memref<8192xf32, #tpu.memory_space<hbm>>) target_semaphore(%arg16 : memref<!tpu.dma_semaphore, #tpu.memory_space<semaphore_mem>>)
    %dma_wait3A_92 = tpu.memref_slice %arg4[%add3A_79] : memref<1048576xf32, #tpu.memory_space<hbm>> -> memref<8192xf32, #tpu.memory_space<hbm>>
    %dma_wait3A_93 = tpu.memref_slice %arg4[%add3A_79] : memref<1048576xf32, #tpu.memory_space<hbm>> -> memref<8192xf32, #tpu.memory_space<hbm>>
    tpu.wait_dma2 semaphore(%arg15 : memref<!tpu.dma_semaphore, #tpu.memory_space<semaphore_mem>>) src(%arg9 : memref<8192xf32, #tpu.memory_space<vmem>>) dst(%dma_wait3A_93 : memref<8192xf32, #tpu.memory_space<hbm>>)
    %dma_wait3A_94 = tpu.memref_slice %arg4[%add3A_89] : memref<1048576xf32, #tpu.memory_space<hbm>> -> memref<8192xf32, #tpu.memory_space<hbm>>
    %dma_wait3A_95 = tpu.memref_slice %arg4[%add3A_89] : memref<1048576xf32, #tpu.memory_space<hbm>> -> memref<8192xf32, #tpu.memory_space<hbm>>
    tpu.wait_dma2 semaphore(%arg16 : memref<!tpu.dma_semaphore, #tpu.memory_space<semaphore_mem>>) src(%arg10 : memref<8192xf32, #tpu.memory_space<vmem>>) dst(%dma_wait3A_95 : memref<8192xf32, #tpu.memory_space<hbm>>)
    return
  }
}

</mosaic_0001>

<sc_bundles>
// kernel: kernel.3.cloned.1.call-start
scs
__scs_entry_jumppad:
0x0: {  	(pc) =	sbr.rel $0x88, $3  }
0x1: {  	(tag) =	ssettag $0x0;
	lr =	simm.s32 $0x1  }
0x2: {  	[smem:$0x3F9F] =	sst lr;
	_ =	strace $0xD0000000  }
0x3: {  	_ = 	snop  }
0x4: {  	_ = 	snop  }
0x5: {  	_ = 	snop  }
0x6: {  	_ = 	snop  }
0x7: {  	_ = 	snop  }
__scs_overlays_trampoline_lowered:
0x8: {  	[smem:$0x3FAE] =	sst s0  }
0x9: {  	[smem:$0x3FAF] =	sst s1  }
0xa: {  	[smem:$0x3FB0] =	sst s2  }
0xb: {  	[smem:$0x3FB1] =	sst s3  }
0xc: {  	[smem:$0x3FB2] =	sst s4  }
0xd: {  	[smem:$0x3FB3] =	sst s5  }
0xe: {  	[smem:$0x3FB4] =	sst s6  }
0xf: {  	[smem:$0x3FB5] =	sst s7  }
0x10: {  	[smem:$0x3FB6] =	sst s8  }
0x11: {  	[smem:$0x3FB7] =	sst s9;
	s0 =	simm.s32 @!p0 $0x0  }
0x12: {  	s1 =	sld [smem:$0x3F9D];
	s0 =	simm.s32 @p0 $0x1  }
0x13: {  	[smem:$0x3FB8] =	sst s0;
	s0 =	simm.s32 @!p1 $0x0  }
0x14: {  	s2 =	sld [smem:$0x3F9C];
	s0 =	simm.s32 @p1 $0x1  }
0x15: {  	[smem:$0x3FB9] =	sst s0;
	s0 =	simm.s32 @!p2 $0x0  }
0x16: {  	s3 =	sld [smem:$0x3FDB];
	s0 =	simm.s32 @p2 $0x1  }
0x17: {  	s4 =	simm.s32 $0x1BF5;
	[smem:$0x3FBB] =	sst s0  }
0x18: {  	s0 =	sld [smem:$0x3F9E];
	_ =	swait.ge [sflag:s4], $0x0  }
0x19: {  	s7 =	sld [smem:$0x3F9F]  }
0x1a: {  	s8 =	sadd.s32 $0xFFFFE003, lr  }
0x1b: {  	s9 =	sadd.s32 $0xFFFFFEF7, lr;
	s5 =	simm.s32 $0xFFFFFFFF;
	p2 =	slt.u32 s8, $0xFFFFF086  }
0x1c: {  	p1 =	slt.u32 s9, $0xF7A;
	s5 =	simm.s32 @!p2 $0x0  }
0x1d: {  	s5 =	simm.s32 @p1 $0x1;
	p0 =	seq.s32 s7, s2  }
0x1e: {  	s7 =	smul.u32 @!p0 $0xF7A, s2;
	p2 =	seq.s32 @!p0 s5, $0x0  }
0x1f: {  	s9 =	smul.u32 $0xF7A, s1;
	s8 =	simm.s32 @!p0 $0x1BF5;
	p2 =	por !p2, p0  }
0x20: {  	[sflag:s8] =	ssyncset.s32 @!p0 $0xFFFFF086;
	s6 =	sadd.s32 @!p0 s3, s7;
	s7 =	simm.s32 @!p0 $0x108  }
0x21: {  	s3 =	sadd.s32 s3, s9;
	s6 =	sadd.s32 @!p0 $0x88, s6;
	s7 =	simm.s32 @p2 $0x1082  }
0x22: {  	[simem:s7], [sflag:s8] =	dma.local @!p0 [hbm:s6], $0xF7A  }
0x23: {  	s9 =	sor.u32 $0xD0000000, s2;
	s6 =	simm.s32 $0x108;
	_ =	swait.ge @!p0 [sflag:s8], $0x0  }
0x24: {  	s3 =	sadd.s32 $0x88, s3;
	s6 =	simm.s32 @!p1 $0x1082;
	[sflag:s4] =	ssyncset.s32 $0xFFFFF086  }
0x25: {  	[simem:s6], [sflag:s4] =	dma.local [hbm:s3], $0xF7A  }
0x26: {  	[smem:$0x3F9F] =	sst s1;
	(tag) =	ssettag s2;
	_ =	strace s9  }
0x27: {  	s1 =	sld [smem:$0x3FAF]  }
0x28: {  	s2 =	sld [smem:$0x3FB0]  }
0x29: {  	s4 =	sld [smem:$0x3FB2]  }
0x2a: {  	p0 =	seq.s32 s5, $0x0;
	s5 =	sld [smem:$0x3FB3]  }
0x2b: {  	s6 =	sld [smem:$0x3FB4]  }
0x2c: {  	s7 =	sld [smem:$0x3FB5]  }
0x2d: {  	s3 =	simm.s32 $0x108;
	s8 =	sld [smem:$0x3FB6]  }
0x2e: {  	s3 =	simm.s32 @!p0 $0x1082;
	s9 =	sld [smem:$0x3FB7]  }
0x2f: {  	lr =	sadd.s32 s0, s3;
	s0 =	sld [smem:$0x3FAE]  }
0x30: {  	s3 =	sld [smem:$0x3FB1]  }
0x31: {  	[smem:$0x3FBA] =	sst s10  }
0x32: {  	s10 =	sld [smem:$0x3FB8];
	_ =	sdelay $0x3  }
0x33: {  	p0 =	seq.s32 s10, $0x1;
	s10 =	sld [smem:$0x3FBA];
	_ =	sdelay $0x3  }
0x34: {  	[smem:$0x3FBA] =	sst s10  }
0x35: {  	s10 =	sld [smem:$0x3FB9];
	_ =	sdelay $0x3  }
0x36: {  	p1 =	seq.s32 s10, $0x1;
	s10 =	sld [smem:$0x3FBA];
	_ =	sdelay $0x3  }
0x37: {  	[smem:$0x3FBA] =	sst s10  }
0x38: {  	s10 =	sld [smem:$0x3FBB]  }
0x39: {  	_ = 	snop;
	(pc) =	sbr.ind lr, $3  }
0x3a: {  	_ = 	snop  }
0x3b: {  	_ = 	snop  }
0x3c: {  	p2 =	seq.s32 s10, $0x1;
	s10 =	sld [smem:$0x3FBA]  }
0x3d: {  	_ =	shalt  }
0x3e: {  	_ =	shalt  }
0x3f: {  	_ =	shalt  }
0x40: {  	_ =	shalt  }
0x41: {  	_ =	shalt  }
0x42: {  	_ =	shalt  }
0x43: {  	_ =	shalt  }
0x44: {  	_ =	shalt  }
0x45: {  	_ =	shalt  }
0x46: {  	_ =	shalt  }
0x47: {  	_ =	shalt  }
0x48: {  	_ =	shalt  }
0x49: {  	_ =	shalt  }
0x4a: {  	_ =	shalt  }
0x4b: {  	_ =	shalt  }
0x4c: {  	_ =	shalt  }
0x4d: {  	_ =	shalt  }
0x4e: {  	_ =	shalt  }
0x4f: {  	_ =	shalt  }
0x50: {  	_ =	shalt  }
0x51: {  	_ =	shalt  }
0x52: {  	_ =	shalt  }
0x53: {  	_ =	shalt  }
0x54: {  	_ =	shalt  }
0x55: {  	_ =	shalt  }
0x56: {  	_ =	shalt  }
0x57: {  	_ =	shalt  }
0x58: {  	_ =	shalt  }
0x59: {  	_ =	shalt  }
0x5a: {  	_ =	shalt  }
0x5b: {  	_ =	shalt  }
0x5c: {  	_ =	shalt  }
0x5d: {  	_ =	shalt  }
0x5e: {  	_ =	shalt  }
0x5f: {  	_ =	shalt  }
0x60: {  	_ =	shalt  }
0x61: {  	_ =	shalt  }
0x62: {  	_ =	shalt  }
0x63: {  	_ =	shalt  }
0x64: {  	_ =	shalt  }
0x65: {  	_ =	shalt  }
0x66: {  	_ =	shalt  }
0x67: {  	_ =	shalt  }
0x68: {  	_ =	shalt  }
0x69: {  	_ =	shalt  }
0x6a: {  	_ =	shalt  }
0x6b: {  	_ =	shalt  }
0x6c: {  	_ =	shalt  }
0x6d: {  	_ =	shalt  }
0x6e: {  	_ =	shalt  }
0x6f: {  	_ =	shalt  }
0x70: {  	_ =	shalt  }
0x71: {  	_ =	shalt  }
0x72: {  	_ =	shalt  }
0x73: {  	_ =	shalt  }
0x74: {  	_ =	shalt  }
0x75: {  	_ =	shalt  }
0x76: {  	_ =	shalt  }
0x77: {  	_ =	shalt  }
0x78: {  	_ =	shalt  }
0x79: {  	_ =	shalt  }
0x7a: {  	_ =	shalt  }
0x7b: {  	_ =	shalt  }
0x7c: {  	_ =	shalt  }
0x7d: {  	_ =	shalt  }
0x7e: {  	_ =	shalt  }
0x7f: {  	_ =	shalt  }
0x80: {  	_ =	shalt  }
0x81: {  	_ =	shalt  }
0x82: {  	_ =	shalt  }
0x83: {  	_ =	shalt  }
0x84: {  	_ =	shalt  }
0x85: {  	_ =	shalt  }
0x86: {  	_ =	shalt  }
0x87: {  	_ =	shalt  }
.Lfunc_end0:
.L_simem_size_0:
called_computation_lowered:
.L_overlay_start_0:
0x88: {  	s2 =	sld [smem:$0x3FD9]  }
0x89: {  	s3 =	sld [smem:$0x3FFE];
	_ =	sdelay $0x1  }
0x8a: {  	s1 =	srdreg.scid  }
0x8b: {  	s0 =	sand.u32 $0x1, s1  }
0x8c: {  	s18 =	sshll.u32 s0, $0xA;
	s2 =	sadd.s32 s3, s2  }
0x8d: {  	s2 =	sadd.s32 s2, s18  }
0x8e: {  	[smem:$0x3FC6] =	sst s2  }
0x8f: {  	_ = 	snop  }
0x90: {  	s2 =	sld [smem:$0x3FC9]  }
0x91: {  	s19 =	sld [smem:$0x3FC8]  }
0x92: {  	s4 =	sld [smem:$0x3FD0];
	(tm) =	ssettm $0x1  }
0x93: {  	s5 =	sld [smem:$0x3FFB];
	_ =	sdelay $0x3  }
0x94: {  	_ =	strace s5  }
0x95: {  	s5 =	sld [smem:$0x3FFC];
	_ =	sdelay $0x3  }
0x96: {  	_ =	strace s5  }
0x97: {  	s5 =	sld [smem:$0x3FFD];
	_ =	sdelay $0x3  }
0x98: {  	_ =	strace s5  }
0x99: {  	_ =	strace $0x8FFFFFFF  }
0x9a: {  	s20 =	sld [smem:$0x3FDB];
	_ =	sdelay $0x1  }
0x9b: {  	s6 =	simm.s32 $_scs_section_size  }
0x9c: {  	s7 =	simm.s32 $_size__tile_overlayer_lowered;
	s8 =	simm.s32 $_tile_overlayer_lowered  }
0x9d: {  	s23 =	simm.s32 $0x1BFF;
	s22 =	sshll.u32 s8, $0x1;
	s5 =	sadd.s32 s6, s20  }
0x9e: {  	s9 =	simm.s32 $0x0;
	s21 =	sshll.u32 s7, $0x1;
	s7 =	sadd.s32 s22, s5  }
0x9f: {  	[timem:s9], [sflag:s23] =	dma.local [hbm:s7], s21  }
0xa0: {  	_ =	swait.ge [sflag:s23], s21  }
0xa1: {  	s6 =	ssub.s32 $0x0, s21;
	[sflag:s23] =	ssyncset.done $0x0  }
0xa2: {  	[sflag:s23] =	ssyncadd.s32 s6;
	_ =	sdelay $0x1  }
0xa3: {  	s24 =	simm.s32 $0x1B8B  }
0xa4: {  	_ =	swait.ge [sflag:s24], $0x1  }
0xa5: {  	[sflag:s24] =	ssyncset.done $0x0  }
0xa6: {  	s25 =	simm.s32 $0x1B8E;
	[sflag:s24] =	ssyncadd.s32 $0xFFFFFFFF  }
0xa7: {  	s26 =	simm.s32 $execute0_lowered;
	[smem:$0x3FD2] =	sst s25  }
0xa8: {  	s6 =	sshll.u32 s26, $0x1;
	_ =	strace $0x80000046;
	[dreg:$0x1] =	wrdreg $0xFFFFFFFF  }
0xa9: {  	s28 =	simm.s32 $_size_execute0_lowered;
	s5 =	sadd.s32 s5, s6;
	[dreg:$0x0] =	wrdreg $0x0  }
0xaa: {  	s6 =	sshll.u32 s28, $0x1;
	[dreg:$0x2] =	wrdreg s5  }
0xab: {  	[dreg:$0x3] =	wrdreg s6  }
0xac: {  	[dreg:$0x4] =	wrdreg $0xC0  }
0xad: {  	_ =	task [dreg:s9], $0x5FFFF  }
0xae: {  	[dreg:$0x1] =	wrdreg $0xFFFFFFFF  }
0xaf: {  	[dreg:$0x0] =	wrdreg $0x60  }
0xb0: {  	[dreg:$0x2] =	wrdreg s2  }
0xb1: {  	[dreg:$0x3] =	wrdreg s19  }
0xb2: {  	[dreg:$0x4] =	wrdreg s4  }
0xb3: {  	[dreg:$0x5] =	wrdreg $0x9  }
0xb4: {  	_ =	task.clear_ibuf [dreg:s9], $0x6FFFF;
	_ =	strace $0x90000046  }
0xb5: {  	s29 =	simm.s32 $0x9;
	_ =	strace $0x80000048  }
0xb6: {  	_ =	swait.ge [sflag:s29], $0x1  }
0xb7: {  	[sflag:s29] =	ssyncadd.s32 $0xFFFFFFFF  }
0xb8: {  	_ =	strace $0x90000048  }
0xb9: {  	_ =	sfence  }
0xba: {  	s30 =	sld [smem:$0x0];
	_ =	sdelay $0x2  }
0xbb: {  	s31 =	sshll.u32 s1, $0xD;
	s1 =	sshrl.u32 s1, $0x2  }
0xbc: {  	s3 =	sand.u32 $0x4000, s31;
	s1 =	sadd.s32 s1, s30  }
0xbd: {  	s0 =	sor.u32 s3, s0;
	s1 =	sshll.u32 s1, $0x11  }
0xbe: {  	s0 =	sor.u32 s1, s0  }
0xbf: {  	s0 =	sadd.s32 $0x8F2B, s0  }
0xc0: {  	[sflag:s0] =	ssyncadd.remote.s32 $0x1  }
0xc1: {  	_ =	sfence.sel $0xFFFF  }
0xc2: {  	[dreg:$0x0] =	wrdreg $0xFFFFFFFF;
	(pc) =	sbr.abs _section_cstart, $3  }
0xc3: {  	[dreg:$0x1] =	wrdreg $0xFFFFFFFF  }
0xc4: {  	_ =	task.clear_ibuf [dreg:s9], $0x2FFFF;
	_ =	strace $0x9FFFFFFF  }
0xc5: {  	(tm) =	ssettm $0x7FFFFFFF  }
tec
execute0_lowered:
.L_overlay_start_1:
0x0: {  	(tag) =	ssettag $0x1  }
0x1: {  	s8 =	rddreg [dreg:$0x0]  }
0x2: {  	s2 =	rddreg [dreg:$0x1]  }
0x3: {  	s1 =	srdreg.scid;
	s0 =	stileid.u32  }
0x4: {  	s11 =	rddreg [dreg:$0x2];
	s3 =	simm.s32 $0x0;
	s16 =	simm.s32 $0x8000  }
0x5: {  	s17 =	simm.s32 $0xC000;
	s18 =	simm.s32 $0x2;
	s19 =	simm.s32 $0x3  }
0x6: {  	s20 =	simm.s32 $0xA000;
	s21 =	simm.s32 $0xE000;
	s22 =	simm.s32 $0x4  }
0x7: {  	s23 =	simm.s32 $0x5;
	s24 =	simm.s32 $0x6;
	s25 =	simm.s32 $0x0  }
0x8: {  	s4 =	sand.u32 $0x1, s1;
	s5 =	sshll.u32 s0, $0x1;
	s1 =	rddreg [dreg:$0x3]  }
0x9: {  	[smem:$0x7FF] =	sst s3;
	s6 =	sor.u32 s4, s5;
	s4 =	ssub.s32 $0x2, s4  }
0xa: {  	_ =	strace $0x80000047;
	s7 =	sshll.u32 s6, $0xF;
	s26 =	sshrl.u32 s4, $0x1  }
0xb: {  	s28 =	sshll.u32 s6, $0xD;
	s14 =	sshll.u32 s6, $0xC;
	s9 =	sor.u32 $0x2000, s7  }
0xc: {  	s12 =	ssub.s32 s4, s26;
	s4 =	sadd.s32 s8, s28;
	s10 =	sor.u32 $0x4000, s7  }
0xd: {  	s15 =	sor.u32 $0x6000, s7;
	s7 =	sadd.s32 s11, s14;
	s14 =	simm.s32 $0x1  }
0xe: {  	s29 =	sshrl.u32 s9, $0x2;
	s13 =	sshrl.u32 s10, $0x2;
	s30 =	sshrl.u32 s15, $0x2  }
0xf: {  	s9 =	sshrl.u32 s9, $0x3;
	s10 =	sshrl.u32 s10, $0x3;
	s31 =	sshrl.u32 s15, $0x3  }
0x10: {  	s12 =	smax.u32 s12, $0x1;
	s15 =	simm.s32 $0x2000;
	s5 =	sadd.s32 s8, s29  }
0x11: {  	s6 =	sadd.s32 s8, s13;
	s8 =	sadd.s32 s8, s30;
	s9 =	sadd.s32 s11, s9  }
0x12: {  	s10 =	sadd.s32 s11, s10;
	s11 =	sadd.s32 s11, s31;
	s13 =	simm.s32 $0x4000  }
.LBB2_1:
0x13: {  	[tilespmem:s3], [sflag:$0x1] =	stream.linear.gather [hbm4b:s4+s3], $0x4000, $0x38;
	[tilespmem:$0x10000] =	vst v63  }
0x14: {  	_ = 	snop  }
0x15: {  	[tilespmem:s13], [sflag:$0x2] =	stream.linear.gather [hbm4b:s5+s3], $0x4000, $0x38;
	[tilespmem:$0x10000] =	vst v63  }
0x16: {  	_ =	swait.ge [sflag:s14], $0x4000  }
0x17: {  	s26 =	sand.u32 $0x3F00, s3;
	s28 =	sand.u32 $0x70, s3;
	[sflag:s14] =	ssyncset.done $0x0  }
0x18: {  	s26 =	sor.u32 s28, s26;
	[sflag:s14] =	ssyncadd.s32 $0xFFFFC000  }
0x19: {  	v0 =	vld [tilespmem:s26+$0x0];
	_ =	sdelay $0x1  }
0x1a: {  	v1 =	vld [tilespmem:s26+$0x80];
	_ =	sdelay $0x2  }
0x1b: {  	v2 =	vshll.u32 v0, $0xA;
	v0 =	vshll.u32 v0, $0x7  }
0x1c: {  	v2 =	vand.u32 $0xFFFFE000, v2;
	v0 =	vand.u32 $0x380, v0  }
0x1d: {  	v3 =	vshll.u32 v1, $0x3;
	v1 =	vand.u32 $0x7F, v1;
	v0 =	vor.u32 v2, v0  }
0x1e: {  	s29 =	simm.s32 $0x40;
	s28 =	simm.s32 $0x10;
	s26 =	simm.s32 $0x20;
	v2 =	vand.u32 $0xFFFFFC00, v3;
	v0 =	vor.u32 v1, v0  }
0x1f: {  	s31 =	sand.u32 $0x70, s28;
	s30 =	sand.u32 $0x3F00, s26;
	s26 =	simm.s32 $0x8000;
	v0 =	vor.u32 v2, v0  }
.LBB2_2:
0x20: {  	p0 =	sne.s32 s29, $0x3FE0;
	s30 =	sor.u32 s31, s30;
	[tilespmem:s26+$0x0] =	vst v0  }
0x21: {  	v0 =	vld [tilespmem:s30+$0x0];
	_ =	sdelay $0x1  }
0x22: {  	v1 =	vld [tilespmem:s30+$0x80];
	_ =	sdelay $0x2  }
.Ltmp0:
0x23: {  	v2 =	vshll.u32 v0, $0xA;
	v0 =	vshll.u32 v0, $0x7;
	(pc) =	sbr.rel @p0 .LBB2_2-.Ltmp0, $4  }
0x24: {  	v2 =	vand.u32 $0xFFFFE000, v2;
	v0 =	vand.u32 $0x380, v0  }
0x25: {  	v3 =	vshll.u32 v1, $0x3;
	v1 =	vand.u32 $0x7F, v1;
	v0 =	vor.u32 v2, v0  }
0x26: {  	s28 =	sadd.s32 $0x10, s28;
	s26 =	sadd.s32 $0x10, s26;
	v2 =	vand.u32 $0xFFFFFC00, v3;
	v0 =	vor.u32 v1, v0  }
0x27: {  	s31 =	sand.u32 $0x70, s28;
	s30 =	sand.u32 $0x3F00, s29;
	s29 =	sadd.s32 $0x20, s29;
	v0 =	vor.u32 v2, v0  }
0x28: {  	s28 =	sor.u32 s31, s30;
	[tilespmem:s26+$0x0] =	vst v0  }
0x29: {  	v0 =	vld [tilespmem:s28+$0x0];
	_ =	sdelay $0x1  }
0x2a: {  	v1 =	vld [tilespmem:s28+$0x80];
	_ =	sdelay $0x2  }
0x2b: {  	v2 =	vshll.u32 v0, $0xA;
	v0 =	vshll.u32 v0, $0x7  }
0x2c: {  	v2 =	vand.u32 $0xFFFFE000, v2;
	v0 =	vand.u32 $0x380, v0  }
0x2d: {  	v3 =	vshll.u32 v1, $0x3;
	v1 =	vand.u32 $0x7F, v1;
	v0 =	vor.u32 v2, v0  }
0x2e: {  	v2 =	vand.u32 $0xFFFFFC00, v3;
	v0 =	vor.u32 v1, v0  }
0x2f: {  	s26 =	sadd.s32 $0x10, s26;
	v0 =	vor.u32 v2, v0  }
0x30: {  	[tilespmem:s26+$0x0] =	vst v0  }
0x31: {  	[tilespmem:s17], [sflag:$0x3] =	stream.indirect.gather [hbm4b:s2+s15], $0x1, s16, s15, $0xb8;
	[tilespmem:$0x10000] =	vst v63  }
0x32: {  	s26 =	simm.s32 $0x0  }
0x33: {  	[tilespmem:s26], [sflag:$0x1] =	stream.linear.gather [hbm4b:s6+s26], $0x4000, $0x38;
	[tilespmem:$0x10000] =	vst v63  }
0x34: {  	_ =	swait.ge [sflag:s18], $0x4000  }
0x35: {  	s28 =	sand.u32 $0x3F00, s26;
	s26 =	sand.u32 $0x70, s26;
	[sflag:s18] =	ssyncset.done $0x0  }
0x36: {  	s26 =	sor.u32 s26, s28;
	[sflag:s18] =	ssyncadd.s32 $0xFFFFC000  }
0x37: {  	v0 =	vld [tilespmem:s26+$0x4000];
	_ =	sdelay $0x1  }
0x38: {  	v1 =	vld [tilespmem:s26+$0x4080];
	_ =	sdelay $0x2  }
0x39: {  	v2 =	vshll.u32 v0, $0xA;
	v0 =	vshll.u32 v0, $0x7  }
0x3a: {  	v2 =	vand.u32 $0xFFFFE000, v2;
	v0 =	vand.u32 $0x380, v0  }
0x3b: {  	s29 =	simm.s32 $0x20;
	v3 =	vshll.u32 v1, $0x3;
	v1 =	vand.u32 $0x7F, v1;
	v0 =	vor.u32 v2, v0  }
0x3c: {  	s30 =	sand.u32 $0x3F00, s29;
	s28 =	simm.s32 $0x10;
	v2 =	vand.u32 $0xFFFFFC00, v3;
	v0 =	vor.u32 v1, v0  }
0x3d: {  	s29 =	simm.s32 $0x40;
	s31 =	sand.u32 $0x70, s28;
	s26 =	simm.s32 $0xA000;
	v0 =	vor.u32 v2, v0  }
.LBB2_4:
0x3e: {  	p0 =	sne.s32 s29, $0x3FE0;
	s30 =	sor.u32 s31, s30;
	[tilespmem:s26+$0x0] =	vst v0  }
0x3f: {  	v0 =	vld [tilespmem:s30+$0x4000];
	_ =	sdelay $0x1  }
0x40: {  	v1 =	vld [tilespmem:s30+$0x4080];
	_ =	sdelay $0x2  }
.Ltmp1:
0x41: {  	v2 =	vshll.u32 v0, $0xA;
	v0 =	vshll.u32 v0, $0x7;
	(pc) =	sbr.rel @p0 .LBB2_4-.Ltmp1, $4  }
0x42: {  	v2 =	vand.u32 $0xFFFFE000, v2;
	v0 =	vand.u32 $0x380, v0  }
0x43: {  	v3 =	vshll.u32 v1, $0x3;
	v1 =	vand.u32 $0x7F, v1;
	v0 =	vor.u32 v2, v0  }
0x44: {  	s28 =	sadd.s32 $0x10, s28;
	s26 =	sadd.s32 $0x10, s26;
	v2 =	vand.u32 $0xFFFFFC00, v3;
	v0 =	vor.u32 v1, v0  }
0x45: {  	s31 =	sand.u32 $0x70, s28;
	s30 =	sand.u32 $0x3F00, s29;
	s29 =	sadd.s32 $0x20, s29;
	v0 =	vor.u32 v2, v0  }
0x46: {  	s28 =	sor.u32 s31, s30;
	[tilespmem:s26+$0x0] =	vst v0  }
0x47: {  	v0 =	vld [tilespmem:s28+$0x4000];
	_ =	sdelay $0x1  }
0x48: {  	v1 =	vld [tilespmem:s28+$0x4080];
	_ =	sdelay $0x2  }
0x49: {  	v2 =	vshll.u32 v0, $0xA;
	v0 =	vshll.u32 v0, $0x7  }
0x4a: {  	v2 =	vand.u32 $0xFFFFE000, v2;
	v0 =	vand.u32 $0x380, v0  }
0x4b: {  	v3 =	vshll.u32 v1, $0x3;
	v1 =	vand.u32 $0x7F, v1;
	v0 =	vor.u32 v2, v0  }
0x4c: {  	v2 =	vand.u32 $0xFFFFFC00, v3;
	v0 =	vor.u32 v1, v0  }
0x4d: {  	s26 =	sadd.s32 $0x10, s26;
	v0 =	vor.u32 v2, v0  }
0x4e: {  	[tilespmem:s26+$0x0] =	vst v0  }
0x4f: {  	_ =	swait.ge [sflag:s19], $0x2000  }
0x50: {  	[sflag:s19] =	ssyncset.done $0x0  }
0x51: {  	s26 =	simm.s32 $0x0;
	[sflag:s19] =	ssyncadd.s32 $0xFFFFE000  }
0x52: {  	[hbm4b:s7+s26] =	stream.linear.scatter [tilespmem:s17], [sflag:$0x5], $0x2000, $0x38;
	[tilespmem:$0x10000] =	vst v63  }
0x53: {  	_ = 	snop  }
0x54: {  	[tilespmem:s21], [sflag:$0x4] =	stream.indirect.gather [hbm4b:s2+s15], $0x1, s20, s15, $0xb8;
	[tilespmem:$0x10000] =	vst v63  }
0x55: {  	_ = 	snop  }
0x56: {  	[tilespmem:s13], [sflag:$0x2] =	stream.linear.gather [hbm4b:s8+s26], $0x4000, $0x38;
	[tilespmem:$0x10000] =	vst v63  }
0x57: {  	_ =	swait.ge [sflag:s14], $0x4000  }
0x58: {  	s28 =	sand.u32 $0x3F00, s26;
	s26 =	sand.u32 $0x70, s26;
	[sflag:s14] =	ssyncset.done $0x0  }
0x59: {  	s26 =	sor.u32 s26, s28;
	[sflag:s14] =	ssyncadd.s32 $0xFFFFC000  }
0x5a: {  	v0 =	vld [tilespmem:s26+$0x0];
	_ =	sdelay $0x1  }
0x5b: {  	v1 =	vld [tilespmem:s26+$0x80];
	_ =	sdelay $0x2  }
0x5c: {  	v2 =	vshll.u32 v0, $0xA;
	v0 =	vshll.u32 v0, $0x7  }
0x5d: {  	v2 =	vand.u32 $0xFFFFE000, v2;
	v0 =	vand.u32 $0x380, v0  }
0x5e: {  	s29 =	simm.s32 $0x20;
	v3 =	vshll.u32 v1, $0x3;
	v1 =	vand.u32 $0x7F, v1;
	v0 =	vor.u32 v2, v0  }
0x5f: {  	s30 =	sand.u32 $0x3F00, s29;
	s28 =	simm.s32 $0x10;
	v2 =	vand.u32 $0xFFFFFC00, v3;
	v0 =	vor.u32 v1, v0  }
0x60: {  	s29 =	simm.s32 $0x40;
	s31 =	sand.u32 $0x70, s28;
	s26 =	simm.s32 $0x8000;
	v0 =	vor.u32 v2, v0  }
.LBB2_6:
0x61: {  	p0 =	sne.s32 s29, $0x3FE0;
	s30 =	sor.u32 s31, s30;
	[tilespmem:s26+$0x0] =	vst v0  }
0x62: {  	v0 =	vld [tilespmem:s30+$0x0];
	_ =	sdelay $0x1  }
0x63: {  	v1 =	vld [tilespmem:s30+$0x80];
	_ =	sdelay $0x2  }
.Ltmp2:
0x64: {  	v2 =	vshll.u32 v0, $0xA;
	v0 =	vshll.u32 v0, $0x7;
	(pc) =	sbr.rel @p0 .LBB2_6-.Ltmp2, $4  }
0x65: {  	v2 =	vand.u32 $0xFFFFE000, v2;
	v0 =	vand.u32 $0x380, v0  }
0x66: {  	v3 =	vshll.u32 v1, $0x3;
	v1 =	vand.u32 $0x7F, v1;
	v0 =	vor.u32 v2, v0  }
0x67: {  	s28 =	sadd.s32 $0x10, s28;
	s26 =	sadd.s32 $0x10, s26;
	v2 =	vand.u32 $0xFFFFFC00, v3;
	v0 =	vor.u32 v1, v0  }
0x68: {  	s31 =	sand.u32 $0x70, s28;
	s30 =	sand.u32 $0x3F00, s29;
	s29 =	sadd.s32 $0x20, s29;
	v0 =	vor.u32 v2, v0  }
0x69: {  	s28 =	sor.u32 s31, s30;
	[tilespmem:s26+$0x0] =	vst v0  }
0x6a: {  	v0 =	vld [tilespmem:s28+$0x0];
	_ =	sdelay $0x1  }
0x6b: {  	v1 =	vld [tilespmem:s28+$0x80];
	_ =	sdelay $0x2  }
0x6c: {  	v2 =	vshll.u32 v0, $0xA;
	v0 =	vshll.u32 v0, $0x7  }
0x6d: {  	v2 =	vand.u32 $0xFFFFE000, v2;
	v0 =	vand.u32 $0x380, v0  }
0x6e: {  	v3 =	vshll.u32 v1, $0x3;
	v1 =	vand.u32 $0x7F, v1;
	v0 =	vor.u32 v2, v0  }
0x6f: {  	v2 =	vand.u32 $0xFFFFFC00, v3;
	v0 =	vor.u32 v1, v0  }
0x70: {  	s26 =	sadd.s32 $0x10, s26;
	v0 =	vor.u32 v2, v0  }
0x71: {  	[tilespmem:s26+$0x0] =	vst v0  }
0x72: {  	_ =	swait.ge [sflag:s22], $0x2000  }
0x73: {  	[sflag:s22] =	ssyncset.done $0x0  }
0x74: {  	s26 =	simm.s32 $0x0;
	[sflag:s22] =	ssyncadd.s32 $0xFFFFE000  }
0x75: {  	[hbm4b:s9+s26] =	stream.linear.scatter [tilespmem:s21], [sflag:$0x6], $0x2000, $0x38;
	[tilespmem:$0x10000] =	vst v63  }
0x76: {  	_ =	swait.ge [sflag:s23], $0x2000  }
0x77: {  	[sflag:s23] =	ssyncset.done $0x0  }
0x78: {  	[sflag:s23] =	ssyncadd.s32 $0xFFFFE000  }
0x79: {  	[tilespmem:s17], [sflag:$0x3] =	stream.indirect.gather [hbm4b:s2+s15], $0x1, s16, s15, $0xb8;
	[tilespmem:$0x10000] =	vst v63  }
0x7a: {  	_ =	swait.ge [sflag:s18], $0x4000  }
0x7b: {  	s28 =	sand.u32 $0x3F00, s26;
	s26 =	sand.u32 $0x70, s26;
	[sflag:s18] =	ssyncset.done $0x0  }
0x7c: {  	s26 =	sor.u32 s26, s28;
	[sflag:s18] =	ssyncadd.s32 $0xFFFFC000  }
0x7d: {  	v0 =	vld [tilespmem:s26+$0x4000];
	_ =	sdelay $0x1  }
0x7e: {  	v1 =	vld [tilespmem:s26+$0x4080];
	_ =	sdelay $0x2  }
0x7f: {  	v2 =	vshll.u32 v0, $0xA;
	v0 =	vshll.u32 v0, $0x7  }
0x80: {  	v2 =	vand.u32 $0xFFFFE000, v2;
	v0 =	vand.u32 $0x380, v0  }
0x81: {  	s29 =	simm.s32 $0x20;
	v3 =	vshll.u32 v1, $0x3;
	v1 =	vand.u32 $0x7F, v1;
	v0 =	vor.u32 v2, v0  }
0x82: {  	s30 =	sand.u32 $0x3F00, s29;
	s28 =	simm.s32 $0x10;
	v2 =	vand.u32 $0xFFFFFC00, v3;
	v0 =	vor.u32 v1, v0  }
0x83: {  	s29 =	simm.s32 $0x40;
	s31 =	sand.u32 $0x70, s28;
	s26 =	simm.s32 $0xA000;
	v0 =	vor.u32 v2, v0  }
.LBB2_8:
0x84: {  	p0 =	sne.s32 s29, $0x3FE0;
	s30 =	sor.u32 s31, s30;
	[tilespmem:s26+$0x0] =	vst v0  }
0x85: {  	v0 =	vld [tilespmem:s30+$0x4000];
	_ =	sdelay $0x1  }
0x86: {  	v1 =	vld [tilespmem:s30+$0x4080];
	_ =	sdelay $0x2  }
.Ltmp3:
0x87: {  	v2 =	vshll.u32 v0, $0xA;
	v0 =	vshll.u32 v0, $0x7;
	(pc) =	sbr.rel @p0 .LBB2_8-.Ltmp3, $4  }
0x88: {  	v2 =	vand.u32 $0xFFFFE000, v2;
	v0 =	vand.u32 $0x380, v0  }
0x89: {  	v3 =	vshll.u32 v1, $0x3;
	v1 =	vand.u32 $0x7F, v1;
	v0 =	vor.u32 v2, v0  }
0x8a: {  	s28 =	sadd.s32 $0x10, s28;
	s26 =	sadd.s32 $0x10, s26;
	v2 =	vand.u32 $0xFFFFFC00, v3;
	v0 =	vor.u32 v1, v0  }
0x8b: {  	s31 =	sand.u32 $0x70, s28;
	s30 =	sand.u32 $0x3F00, s29;
	s29 =	sadd.s32 $0x20, s29;
	v0 =	vor.u32 v2, v0  }
0x8c: {  	s28 =	sor.u32 s31, s30;
	[tilespmem:s26+$0x0] =	vst v0  }
0x8d: {  	v0 =	vld [tilespmem:s28+$0x4000];
	_ =	sdelay $0x1  }
0x8e: {  	v1 =	vld [tilespmem:s28+$0x4080];
	_ =	sdelay $0x2  }
0x8f: {  	v2 =	vshll.u32 v0, $0xA;
	v0 =	vshll.u32 v0, $0x7  }
0x90: {  	v2 =	vand.u32 $0xFFFFE000, v2;
	v0 =	vand.u32 $0x380, v0  }
0x91: {  	v3 =	vshll.u32 v1, $0x3;
	v1 =	vand.u32 $0x7F, v1;
	v0 =	vor.u32 v2, v0  }
0x92: {  	v63 =	vand.u32 $0xFFFFFC00, v3;
	v0 =	vor.u32 v1, v0  }
0x93: {  	s31 =	sadd.s32 $0x10, s26;
	v0 =	vor.u32 v63, v0  }
0x94: {  	[tilespmem:s31+$0x0] =	vst v0  }
0x95: {  	_ =	swait.ge [sflag:s19], $0x2000  }
0x96: {  	[sflag:s19] =	ssyncset.done $0x0  }
0x97: {  	[sflag:s19] =	ssyncadd.s32 $0xFFFFE000  }
0x98: {  	[hbm4b:s10+s3] =	stream.linear.scatter [tilespmem:s17], [sflag:$0x5], $0x2000, $0x38;
	[tilespmem:$0x10000] =	vst v63  }
0x99: {  	_ =	swait.ge [sflag:s24], $0x2000  }
0x9a: {  	[sflag:s24] =	ssyncset.done $0x0  }
0x9b: {  	[sflag:s24] =	ssyncadd.s32 $0xFFFFE000  }
0x9c: {  	[tilespmem:s21], [sflag:$0x4] =	stream.indirect.gather [hbm4b:s2+s15], $0x1, s20, s15, $0xb8;
	[tilespmem:$0x10000] =	vst v63  }
0x9d: {  	_ =	swait.ge [sflag:s22], $0x2000  }
0x9e: {  	[sflag:s22] =	ssyncset.done $0x0  }
0x9f: {  	s25 =	sadd.s32 $0x1, s25;
	[sflag:s22] =	ssyncadd.s32 $0xFFFFE000  }
0xa0: {  	[hbm4b:s11+s3] =	stream.linear.scatter [tilespmem:s21], [sflag:$0x6], $0x2000, $0x38;
	[tilespmem:$0x10000] =	vst v63  }
0xa1: {  	p0 =	sne.s32 s25, s12;
	_ =	swait.ge [sflag:s23], $0x2000  }
.Ltmp4:
0xa2: {  	[sflag:s23] =	ssyncset.done $0x0;
	(pc) =	sbr.rel @p0 .LBB2_1-.Ltmp4, $4  }
0xa3: {  	[sflag:s23] =	ssyncadd.s32 $0xFFFFE000  }
0xa4: {  	_ =	swait.ge [sflag:s24], $0x2000  }
0xa5: {  	[sflag:s24] =	ssyncset.done $0x0  }
0xa6: {  	[sflag:s24] =	ssyncadd.s32 $0xFFFFE000  }
0xa7: {  	_ =	sfence.sel $0x180000  }
0xa8: {  	[bflag:$0x0] =	sbarrier.arrive $0xFFFF  }
0xa9: {  	p0 =	sne.s32 s0, $0x0;
	_ =	strace $0x90000047  }
0xaa: {  	s0 =	sadd.s32 @!p0 $0x100000, s1;
	[bflag:$0x2] =	sbarrier.arrive $0xFFFF  }
0xab: {  	[sflag:s0] =	ssyncadd.tile.s32 @!p0 $0x1;
	_ =	shalt  }
.Lfunc_end2:
_tile_overlayer_lowered:
.L_overlay_start_2:
0xac: {  	(tag) =	ssettag $0x2  }
0xad: {  	s0 =	rddreg [dreg:$0x0];
	s2 =	stileid.u32  }
0xae: {  	s1 =	rddreg [dreg:$0x1];
	p0 =	sne.s32 s2, $0x0  }
0xaf: {  	s3 =	rddreg [dreg:$0x2];
	[bflag:$0x3] =	sbarrier.arrive $0xFFFF;
	s2 =	simm.s32 @!p0 $0x1C07  }
0xb0: {  	[timem:s3], [sflag:s2] =	dma.local @!p0 [hbm:s0], s1  }
0xb1: {  	s0 =	simm.s32 @!p0 $0x7  }
0xb2: {  	_ =	swait.ge @!p0 [sflag:s0], s1  }
0xb3: {  	s1 =	ssub.s32 @!p0 $0x0, s1;
	[sflag:s0] =	ssyncset.done @!p0 $0x0  }
0xb4: {  	[sflag:s0] =	ssyncadd.s32 @!p0 s1  }
0xb5: {  	[bflag:$0x3] =	sbarrier.arrive $0xFFFF  }
0xb6: {  	_ =	shalt  }

</sc_bundles>
